<compile_context>
chip_gen: v7x
topology: tpu7x:2x2x1
jax: 0.10.2.dev20260603
libtpu: 0.0.44.dev20260713+nightly
codegen_flags: <defaults>
</compile_context>

<pallas_src>
import functools

import jax
import jax.numpy as jnp
import numpy as np
from jax import lax
from jax.experimental import pallas as pl
from jax.experimental.pallas import tpu as pltpu
from jax.experimental.pallas import tpu_sc as plsc

_N = 4096
_K = 32
_DIM = 256
_ALPHA = 3.0
_RPB = 256
_DOT_PREC = jax.lax.Precision.DEFAULT


def _make_noise() -> np.ndarray:
    def draw():
        u = jax.random.uniform(jax.random.key(42), (_N, _N), dtype=jnp.float32)
        return u * 0.01

    try:
        cpu = jax.devices("cpu")[0]
        with jax.default_device(cpu):
            return np.asarray(draw())
    except Exception:
        try:
            return np.asarray(draw())
        except Exception:
            return None


_NOISE = _make_noise()



def _count16(pred):
    acc = pred[:, 0:128].astype(jnp.int16)
    for c in range(1, _N // 128):
        acc = acc + pred[:, c * 128:(c + 1) * 128].astype(jnp.int16)
    return jnp.sum(acc.astype(jnp.float32), axis=1, keepdims=True)


def _nodevec_body(emb1_ref, w1_ref, b1_ref, emb2_ref, w2_ref, b2_ref,
                  nv1_ref, nv2_ref):
    x1 = jax.lax.dot_general(emb1_ref[...], w1_ref[...],
                             (((1,), (1,)), ((), ())), precision=_DOT_PREC)
    nv1_ref[...] = jnp.tanh(_ALPHA * (x1 + b1_ref[...]))
    x2 = jax.lax.dot_general(emb2_ref[...], w2_ref[...],
                             (((1,), (1,)), ((), ())), precision=_DOT_PREC)
    nv2_ref[...] = jnp.tanh(_ALPHA * (x2 + b2_ref[...]))


def _adj_body(nv1_ref, nv2_ref, noise_ref, out_ref):
    i = pl.program_id(0)
    nv1b = nv1_ref[pl.ds(i * _RPB, _RPB), :]
    nv2b = nv2_ref[pl.ds(i * _RPB, _RPB), :]
    a = (jax.lax.dot_general(nv1b, nv2_ref[...], (((1,), (1,)), ((), ())),
                             precision=_DOT_PREC)
         - jax.lax.dot_general(nv2b, nv1_ref[...], (((1,), (1,)), ((), ())),
                               precision=_DOT_PREC))
    adj = jnp.maximum(jnp.tanh(_ALPHA * a), 0.0)
    s = adj + noise_ref[...]

    sbits = jax.lax.bitcast_convert_type(s, jnp.int32)
    hi16 = jnp.right_shift(sbits, 16).astype(jnp.int16)
    lo16 = jnp.bitwise_xor(sbits, jnp.int32(0x8000)).astype(jnp.int16)

    def stepA(j, th):
        bit = jnp.left_shift(jnp.int32(1), jnp.int32(9) - j)
        cand = jnp.bitwise_or(th, bit)
        c16 = cand.astype(jnp.int16)
        cnt = _count16(hi16 >= c16)
        return jnp.where(cnt >= float(_K), cand, th)

    th0 = jnp.full((_RPB, 1), 0x3C00, jnp.int32)
    th = jax.lax.fori_loop(0, 10, stepA, th0, unroll=10)
    th16 = th.astype(jnp.int16)

    ghi = _count16(hi16 > th16)
    w16 = jnp.where(hi16 == th16, lo16, jnp.int16(-32768))
    need_lo = float(_K) - ghi

    def stepB(j, tu):
        bit = jnp.left_shift(jnp.int32(1), jnp.int32(15) - j)
        cand = jnp.bitwise_or(tu, bit)
        c16 = jnp.bitwise_xor(cand, jnp.int32(0x8000)).astype(jnp.int16)
        cnt = _count16(w16 >= c16)
        return jnp.where(cnt >= need_lo, cand, tu)

    tu = jax.lax.fori_loop(0, 16, stepB, jnp.zeros((_RPB, 1), jnp.int32), unroll=16)
    tu16 = jnp.bitwise_xor(tu, jnp.int32(0x8000)).astype(jnp.int16)

    gt = (hi16 > th16) | ((hi16 == th16) & (lo16 > tu16))
    eq = (hi16 == th16) & (lo16 == tu16)

    need = float(_K) - _count16(gt)
    col = jax.lax.broadcasted_iota(jnp.int32, (_RPB, _N), 1).astype(jnp.int16)
    z = jnp.where(eq, col, jnp.int16(_N))

    def cstep(j, p):
        q = jnp.bitwise_or(p, jnp.left_shift(jnp.int32(1), jnp.int32(12) - j))
        q16 = q.astype(jnp.int16)
        cnt = _count16(z < q16)
        return jnp.where(cnt < need, q, p)

    p = jax.lax.fori_loop(0, 13, cstep, jnp.zeros((_RPB, 1), jnp.int32), unroll=13)
    p16 = p.astype(jnp.int16)
    out_ref[...] = jnp.where(gt | (z <= p16), adj, 0.0)




def _sc_probe(mat):
    info = plsc.get_sparse_core_info()
    nw = info.num_cores * info.num_subcores
    rpw = _N // nw
    mesh = plsc.VectorSubcoreMesh(core_axis_name="c", subcore_axis_name="s")

    @functools.partial(
        pl.kernel, mesh=mesh,
        out_type=jax.ShapeDtypeStruct((nw * 16,), jnp.float32),
        scratch_types=[pltpu.VMEM((_N,), jnp.float32),
                       pltpu.VMEM((16,), jnp.float32)],
    )
    def k(mat_hbm, out_hbm, row_v, out_v):
        wid = lax.axis_index("s") * info.num_cores + lax.axis_index("c")
        base = wid * rpw

        def row(r, tot):
            pltpu.sync_copy(mat_hbm.at[base + r], row_v)

            def vloop(i, acc):
                v = row_v[pl.ds(i * 16, 16)]
                return acc + jnp.where(v >= 0.005, 1.0, 0.0)

            return lax.fori_loop(0, _N // 16, vloop, tot)

        tot = lax.fori_loop(0, rpw, row, jnp.zeros((16,), jnp.float32))
        out_v[...] = tot
        pltpu.sync_copy(out_v, out_hbm.at[pl.ds(wid * 16, 16)])

    return k(mat)


def kernel(idx, emb1, emb2, W1, b1, W2, b2):
    del idx
    b1r = b1.reshape(1, _DIM)
    b2r = b2.reshape(1, _DIM)
    nv1, nv2 = pl.pallas_call(
        _nodevec_body,
        out_shape=(jax.ShapeDtypeStruct((_N, _DIM), jnp.float32),
                   jax.ShapeDtypeStruct((_N, _DIM), jnp.float32)),
    )(emb1, W1, b1r, emb2, W2, b2r)

    if _NOISE is not None:
        noise = jnp.asarray(_NOISE)
    else:
        noise = jax.random.uniform(jax.random.key(42), (_N, _N),
                                   dtype=jnp.float32) * 0.01
    grid = (_N // _RPB,)
    out = pl.pallas_call(
        _adj_body,
        grid=grid,
        in_specs=[
            pl.BlockSpec((_N, _DIM), lambda i: (0, 0)),
            pl.BlockSpec((_N, _DIM), lambda i: (0, 0)),
            pl.BlockSpec((_RPB, _N), lambda i: (i, 0)),
        ],
        out_specs=pl.BlockSpec((_RPB, _N), lambda i: (i, 0)),
        out_shape=jax.ShapeDtypeStruct((_N, _N), jnp.float32),
        compiler_params=pltpu.CompilerParams(
            dimension_semantics=("arbitrary",)),
    )(nv1, nv2, noise)
    probe = _sc_probe(noise)
    _, probe = jax.lax.optimization_barrier((out, probe))
    return jnp.zeros((_N, _N), jnp.float32).at[0, 0:512].set(probe)

# --- scband reference (transcript-rebuilt; emitter-appended) ---
"""Pipeline reference for scband-graph-constructor-62577673503458 (READ-ONLY COPY).

The authoritative reference and input builder live on the scoring server;
editing this copy changes nothing except your own understanding.
"""

import jax, jax.numpy as jnp
import numpy as np

NNODES = 4096
K = 32
DIM = 256
ALPHA = 3.0


def setup_inputs(seed: int = 0) -> dict:
    key = jax.random.key(seed)
    ks = jax.random.split(key, 8)
    idx = jnp.arange(NNODES, dtype=jnp.int32)
    emb1 = jax.random.normal(ks[0], (NNODES, DIM), dtype=jnp.float32)
    emb2 = jax.random.normal(ks[1], (NNODES, DIM), dtype=jnp.float32)
    bound = 1.0 / np.sqrt(DIM)
    W1 = jax.random.uniform(ks[2], (DIM, DIM), minval=-bound, maxval=bound, dtype=jnp.float32)
    b1 = jax.random.uniform(ks[3], (DIM,), minval=-bound, maxval=bound, dtype=jnp.float32)
    W2 = jax.random.uniform(ks[4], (DIM, DIM), minval=-bound, maxval=bound, dtype=jnp.float32)
    b2 = jax.random.uniform(ks[5], (DIM,), minval=-bound, maxval=bound, dtype=jnp.float32)
    return {"idx": idx, "emb1": emb1, "emb2": emb2, "W1": W1, "b1": b1, "W2": W2, "b2": b2}


def reference(idx, emb1, emb2, W1, b1, W2, b2):
    # embedding lookups (gather)
    nodevec1 = jnp.take(emb1, idx, axis=0)
    nodevec2 = jnp.take(emb2, idx, axis=0)
    # linear + tanh with alpha scaling
    nodevec1 = jnp.tanh(ALPHA * (nodevec1 @ W1.T + b1))
    nodevec2 = jnp.tanh(ALPHA * (nodevec2 @ W2.T + b2))
    # antisymmetric score matrix
    a = nodevec1 @ nodevec2.T - nodevec2 @ nodevec1.T
    adj = jax.nn.relu(jnp.tanh(ALPHA * a))
    # tie-breaking noise (fixed key for determinism), mirrors torch.rand_like(adj)*0.01
    noise = jax.random.uniform(jax.random.key(42), adj.shape, dtype=adj.dtype) * 0.01
    # per-row top-k to build sparse mask
    _, t1 = jax.lax.top_k(adj + noise, K)
    N = idx.shape[0]
    rows = jnp.arange(N)[:, None]
    mask = jnp.zeros((N, N), dtype=adj.dtype).at[rows, t1].set(1.0)
    return adj * mask

if __name__ == "__main__":
    import jax
    _d = setup_inputs()
    print(jax.jit(kernel)(*tuple(_d.values())))

</pallas_src>

<mosaic_0001>
#map = affine_map<(d0, d1) -> (0, 0)>
#map1 = affine_map<(d0, d1) -> (0)>
module attributes {stable_mosaic.version = 14 : i64} {
  func.func @k(%arg0: i32, %arg1: i32, %arg2: memref<4096x4096xf32, #tpu.memory_space<hbm>>, %arg3: memref<512xf32, #tpu.memory_space<hbm>>, %arg4: memref<4096xf32, #tpu.memory_space<vmem>>, %arg5: memref<16xf32, #tpu.memory_space<vmem>>) attributes {dimension_semantics = [#tpu.dimension_semantics<core_parallel>, #tpu.dimension_semantics<subcore_parallel>], iteration_bounds = array<i64: 2, 16>, scalar_prefetch = 0 : i64, scratch_operands = 2 : i64, tpu.core_type = #tpu.core_type<sc_vector_subcore>, window_params = [{transform_indices = #map}, {transform_indices = #map1}]} {
    %mul3A = arith.constant 2 : i32
    %mul3A_0 = arith.muli %arg1, %mul3A : i32
    %add3A = arith.addi %mul3A_0, %arg0 : i32
    %mul3A_1 = arith.constant 128 : i32
    %mul3A_2 = arith.muli %add3A, %mul3A_1 : i32
    %broadcast_in_dim3A = arith.constant 0.000000e+00 : f32
    %broadcast_in_dim3A_3 = vector.broadcast %broadcast_in_dim3A : f32 to vector<16xf32>
    %scan3A = arith.constant 0 : i32
    %scan3A_4 = arith.constant 128 : i32
    %scan3A_5 = arith.addi %scan3A, %scan3A_4 : i32
    %scan3A_6 = arith.constant 1 : i32
    %scan3A_7 = scf.for %scan3A_14 = %scan3A to %scan3A_5 step %scan3A_6 iter_args(%scan3A_15 = %broadcast_in_dim3A_3) -> (vector<16xf32>)  : i32 {
      %add3A_16 = arith.addi %mul3A_2, %scan3A_14 : i32
      "tpu.region"() ({
        %run_scoped3A = tpu.sem_alloc : memref<!tpu.dma_semaphore, #tpu.memory_space<semaphore_mem>>
        %dma_start3A = arith.constant 0 : i32
        %dma_start3A_23 = tpu.memref_slice %arg2[%add3A_16, %dma_start3A] : memref<4096x4096xf32, #tpu.memory_space<hbm>> -> memref<1x4096xf32, #tpu.memory_space<hbm>>
        %dma_start3A_24 = tpu.memref_squeeze %dma_start3A_23 : memref<1x4096xf32, #tpu.memory_space<hbm>> -> memref<4096xf32, #tpu.memory_space<hbm>>
        %dma_start3A_25 = arith.constant 0 : i32
        %dma_start3A_26 = tpu.memref_slice %arg2[%add3A_16, %dma_start3A_25] : memref<4096x4096xf32, #tpu.memory_space<hbm>> -> memref<1x4096xf32, #tpu.memory_space<hbm>>
        %dma_start3A_27 = tpu.memref_squeeze %dma_start3A_26 : memref<1x4096xf32, #tpu.memory_space<hbm>> -> memref<4096xf32, #tpu.memory_space<hbm>>
        tpu.enqueue_dma source(%dma_start3A_27 : memref<4096xf32, #tpu.memory_space<hbm>>) target(%arg4 : memref<4096xf32, #tpu.memory_space<vmem>>) target_semaphore(%run_scoped3A : memref<!tpu.dma_semaphore, #tpu.memory_space<semaphore_mem>>)
        %dma_wait3A = arith.constant 0 : i32
        %dma_wait3A_28 = tpu.memref_slice %arg2[%add3A_16, %dma_wait3A] : memref<4096x4096xf32, #tpu.memory_space<hbm>> -> memref<1x4096xf32, #tpu.memory_space<hbm>>
        %dma_wait3A_29 = tpu.memref_squeeze %dma_wait3A_28 : memref<1x4096xf32, #tpu.memory_space<hbm>> -> memref<4096xf32, #tpu.memory_space<hbm>>
        %dma_wait3A_30 = arith.constant 0 : i32
        %dma_wait3A_31 = tpu.memref_slice %arg2[%add3A_16, %dma_wait3A_30] : memref<4096x4096xf32, #tpu.memory_space<hbm>> -> memref<1x4096xf32, #tpu.memory_space<hbm>>
        %dma_wait3A_32 = tpu.memref_squeeze %dma_wait3A_31 : memref<1x4096xf32, #tpu.memory_space<hbm>> -> memref<4096xf32, #tpu.memory_space<hbm>>
        tpu.wait_dma2 semaphore(%run_scoped3A : memref<!tpu.dma_semaphore, #tpu.memory_space<semaphore_mem>>) src(%dma_wait3A_32 : memref<4096xf32, #tpu.memory_space<hbm>>) dst(%arg4 : memref<4096xf32, #tpu.memory_space<vmem>>)
        tpu.yield
      }) : () -> ()
      %scan3A_17 = arith.constant 0 : i32
      %scan3A_18 = arith.constant 256 : i32
      %scan3A_19 = arith.addi %scan3A_17, %scan3A_18 : i32
      %scan3A_20 = arith.constant 1 : i32
      %scan3A_21 = scf.for %scan3A_23 = %scan3A_17 to %scan3A_19 step %scan3A_20 iter_args(%scan3A_24 = %scan3A_15) -> (vector<16xf32>)  : i32 {
        %mul3A_25 = arith.constant 16 : i32
        %mul3A_26 = arith.muli %scan3A_23, %mul3A_25 : i32
        %get3A = arith.index_cast %mul3A_26 : i32 to index
        %get3A_27 = tpu.vector_load %arg4[%get3A] {strides = array<i32>} : memref<4096xf32, #tpu.memory_space<vmem>>, vector<16xf32>,
        %get3A_28 = vector.shape_cast %get3A_27 : vector<16xf32> to vector<16xf32>
        %ge3A = arith.constant 5.000000e-03 : f32
        %ge3A_29 = vector.broadcast %ge3A : f32 to vector<16xf32>
        %ge3A_30 = arith.cmpf oge, %get3A_28, %ge3A_29 : vector<16xf32>
        %jit3A = arith.constant 1.000000e+00 : f32
        %jit3A_31 = arith.constant 0.000000e+00 : f32
        %broadcast_in_dim3A_32 = vector.broadcast %jit3A : f32 to vector<16xf32>
        %broadcast_in_dim3A_33 = vector.broadcast %jit3A_31 : f32 to vector<16xf32>
        %select_n3A = arith.select %ge3A_30, %broadcast_in_dim3A_32, %broadcast_in_dim3A_33 : vector<16xi1>, vector<16xf32>
        %add3A_34 = arith.addf %scan3A_24, %select_n3A : vector<16xf32>
        scf.yield %add3A_34 : vector<16xf32>
      }
      %scan3A_22 = arith.constant 256 : i32
      scf.yield %scan3A_21 : vector<16xf32>
    }
    %scan3A_8 = arith.constant 128 : i32
    %swap3A = arith.constant 0 : index
    %swap3A_9 = tpu.vector_load %arg5[%swap3A] {strides = array<i32>} : memref<16xf32, #tpu.memory_space<vmem>>, vector<16xf32>,
    %swap3A_10 = vector.shape_cast %swap3A_9 : vector<16xf32> to vector<16xf32>
    %swap3A_11 = vector.shape_cast %scan3A_7 : vector<16xf32> to vector<16xf32>
    tpu.vector_store %arg5[%swap3A], %swap3A_11 {strides = array<i32>} : memref<16xf32, #tpu.memory_space<vmem>>, vector<16xf32>,
    %mul3A_12 = arith.constant 16 : i32
    %mul3A_13 = arith.muli %add3A, %mul3A_12 : i32
    "tpu.region"() ({
      %run_scoped3A = tpu.sem_alloc : memref<!tpu.dma_semaphore, #tpu.memory_space<semaphore_mem>>
      %dma_start3A = tpu.memref_slice %arg3[%mul3A_13] : memref<512xf32, #tpu.memory_space<hbm>> -> memref<16xf32, #tpu.memory_space<hbm>>
      %dma_start3A_14 = tpu.memref_slice %arg3[%mul3A_13] : memref<512xf32, #tpu.memory_space<hbm>> -> memref<16xf32, #tpu.memory_space<hbm>>
      tpu.enqueue_dma source(%arg5 : memref<16xf32, #tpu.memory_space<vmem>>) target(%dma_start3A_14 : memref<16xf32, #tpu.memory_space<hbm>>) target_semaphore(%run_scoped3A : memref<!tpu.dma_semaphore, #tpu.memory_space<semaphore_mem>>)
      %dma_wait3A = tpu.memref_slice %arg3[%mul3A_13] : memref<512xf32, #tpu.memory_space<hbm>> -> memref<16xf32, #tpu.memory_space<hbm>>
      %dma_wait3A_15 = tpu.memref_slice %arg3[%mul3A_13] : memref<512xf32, #tpu.memory_space<hbm>> -> memref<16xf32, #tpu.memory_space<hbm>>
      tpu.wait_dma2 semaphore(%run_scoped3A : memref<!tpu.dma_semaphore, #tpu.memory_space<semaphore_mem>>) src(%arg5 : memref<16xf32, #tpu.memory_space<vmem>>) dst(%dma_wait3A_15 : memref<16xf32, #tpu.memory_space<hbm>>)
      tpu.yield
    }) : () -> ()
    return
  }
}

</mosaic_0001>

<sc_bundles>
// kernel: kernel.5.cloned.1.call-start
scs
__scs_entry_jumppad:
0x0: {  	(pc) =	sbr.rel $0x88, $3  }
0x1: {  	(tag) =	ssettag $0x0;
	lr =	simm.s32 $0x1  }
0x2: {  	[smem:$0x3F9B] =	sst lr;
	_ =	strace $0xD0000000  }
0x3: {  	_ = 	snop  }
0x4: {  	_ = 	snop  }
0x5: {  	_ = 	snop  }
0x6: {  	_ = 	snop  }
0x7: {  	_ = 	snop  }
__scs_overlays_trampoline_lowered:
0x8: {  	[smem:$0x3FAA] =	sst s0  }
0x9: {  	[smem:$0x3FAB] =	sst s1  }
0xa: {  	[smem:$0x3FAC] =	sst s2  }
0xb: {  	[smem:$0x3FAD] =	sst s3  }
0xc: {  	[smem:$0x3FAE] =	sst s4  }
0xd: {  	[smem:$0x3FAF] =	sst s5  }
0xe: {  	[smem:$0x3FB0] =	sst s6  }
0xf: {  	[smem:$0x3FB1] =	sst s7  }
0x10: {  	[smem:$0x3FB2] =	sst s8  }
0x11: {  	[smem:$0x3FB3] =	sst s9;
	s0 =	simm.s32 @!p0 $0x0  }
0x12: {  	s1 =	sld [smem:$0x3F99];
	s0 =	simm.s32 @p0 $0x1  }
0x13: {  	[smem:$0x3FB4] =	sst s0;
	s0 =	simm.s32 @!p1 $0x0  }
0x14: {  	s2 =	sld [smem:$0x3F98];
	s0 =	simm.s32 @p1 $0x1  }
0x15: {  	[smem:$0x3FB5] =	sst s0;
	s0 =	simm.s32 @!p2 $0x0  }
0x16: {  	s3 =	sld [smem:$0x3FDB];
	s0 =	simm.s32 @p2 $0x1  }
0x17: {  	s4 =	simm.s32 $0x1BF5;
	[smem:$0x3FB7] =	sst s0  }
0x18: {  	s0 =	sld [smem:$0x3F9A];
	_ =	swait.ge [sflag:s4], $0x0  }
0x19: {  	s7 =	sld [smem:$0x3F9B]  }
0x1a: {  	s8 =	sadd.s32 $0xFFFFE003, lr  }
0x1b: {  	s9 =	sadd.s32 $0xFFFFFEF7, lr;
	s5 =	simm.s32 $0xFFFFFFFF;
	p2 =	slt.u32 s8, $0xFFFFF086  }
0x1c: {  	p1 =	slt.u32 s9, $0xF7A;
	s5 =	simm.s32 @!p2 $0x0  }
0x1d: {  	s5 =	simm.s32 @p1 $0x1;
	p0 =	seq.s32 s7, s2  }
0x1e: {  	s7 =	smul.u32 @!p0 $0xF7A, s2;
	p2 =	seq.s32 @!p0 s5, $0x0  }
0x1f: {  	s9 =	smul.u32 $0xF7A, s1;
	s8 =	simm.s32 @!p0 $0x1BF5;
	p2 =	por !p2, p0  }
0x20: {  	[sflag:s8] =	ssyncset.s32 @!p0 $0xFFFFF086;
	s6 =	sadd.s32 @!p0 s3, s7;
	s7 =	simm.s32 @!p0 $0x108  }
0x21: {  	s3 =	sadd.s32 s3, s9;
	s6 =	sadd.s32 @!p0 $0x88, s6;
	s7 =	simm.s32 @p2 $0x1082  }
0x22: {  	[simem:s7], [sflag:s8] =	dma.local @!p0 [hbm:s6], $0xF7A  }
0x23: {  	s9 =	sor.u32 $0xD0000000, s2;
	s6 =	simm.s32 $0x108;
	_ =	swait.ge @!p0 [sflag:s8], $0x0  }
0x24: {  	s3 =	sadd.s32 $0x88, s3;
	s6 =	simm.s32 @!p1 $0x1082;
	[sflag:s4] =	ssyncset.s32 $0xFFFFF086  }
0x25: {  	[simem:s6], [sflag:s4] =	dma.local [hbm:s3], $0xF7A  }
0x26: {  	[smem:$0x3F9B] =	sst s1;
	(tag) =	ssettag s2;
	_ =	strace s9  }
0x27: {  	s1 =	sld [smem:$0x3FAB]  }
0x28: {  	s2 =	sld [smem:$0x3FAC]  }
0x29: {  	s4 =	sld [smem:$0x3FAE]  }
0x2a: {  	p0 =	seq.s32 s5, $0x0;
	s5 =	sld [smem:$0x3FAF]  }
0x2b: {  	s6 =	sld [smem:$0x3FB0]  }
0x2c: {  	s7 =	sld [smem:$0x3FB1]  }
0x2d: {  	s3 =	simm.s32 $0x108;
	s8 =	sld [smem:$0x3FB2]  }
0x2e: {  	s3 =	simm.s32 @!p0 $0x1082;
	s9 =	sld [smem:$0x3FB3]  }
0x2f: {  	lr =	sadd.s32 s0, s3;
	s0 =	sld [smem:$0x3FAA]  }
0x30: {  	s3 =	sld [smem:$0x3FAD]  }
0x31: {  	[smem:$0x3FB6] =	sst s10  }
0x32: {  	s10 =	sld [smem:$0x3FB4];
	_ =	sdelay $0x3  }
0x33: {  	p0 =	seq.s32 s10, $0x1;
	s10 =	sld [smem:$0x3FB6];
	_ =	sdelay $0x3  }
0x34: {  	[smem:$0x3FB6] =	sst s10  }
0x35: {  	s10 =	sld [smem:$0x3FB5];
	_ =	sdelay $0x3  }
0x36: {  	p1 =	seq.s32 s10, $0x1;
	s10 =	sld [smem:$0x3FB6];
	_ =	sdelay $0x3  }
0x37: {  	[smem:$0x3FB6] =	sst s10  }
0x38: {  	s10 =	sld [smem:$0x3FB7]  }
0x39: {  	_ = 	snop;
	(pc) =	sbr.ind lr, $3  }
0x3a: {  	_ = 	snop  }
0x3b: {  	_ = 	snop  }
0x3c: {  	p2 =	seq.s32 s10, $0x1;
	s10 =	sld [smem:$0x3FB6]  }
0x3d: {  	_ =	shalt  }
0x3e: {  	_ =	shalt  }
0x3f: {  	_ =	shalt  }
0x40: {  	_ =	shalt  }
0x41: {  	_ =	shalt  }
0x42: {  	_ =	shalt  }
0x43: {  	_ =	shalt  }
0x44: {  	_ =	shalt  }
0x45: {  	_ =	shalt  }
0x46: {  	_ =	shalt  }
0x47: {  	_ =	shalt  }
0x48: {  	_ =	shalt  }
0x49: {  	_ =	shalt  }
0x4a: {  	_ =	shalt  }
0x4b: {  	_ =	shalt  }
0x4c: {  	_ =	shalt  }
0x4d: {  	_ =	shalt  }
0x4e: {  	_ =	shalt  }
0x4f: {  	_ =	shalt  }
0x50: {  	_ =	shalt  }
0x51: {  	_ =	shalt  }
0x52: {  	_ =	shalt  }
0x53: {  	_ =	shalt  }
0x54: {  	_ =	shalt  }
0x55: {  	_ =	shalt  }
0x56: {  	_ =	shalt  }
0x57: {  	_ =	shalt  }
0x58: {  	_ =	shalt  }
0x59: {  	_ =	shalt  }
0x5a: {  	_ =	shalt  }
0x5b: {  	_ =	shalt  }
0x5c: {  	_ =	shalt  }
0x5d: {  	_ =	shalt  }
0x5e: {  	_ =	shalt  }
0x5f: {  	_ =	shalt  }
0x60: {  	_ =	shalt  }
0x61: {  	_ =	shalt  }
0x62: {  	_ =	shalt  }
0x63: {  	_ =	shalt  }
0x64: {  	_ =	shalt  }
0x65: {  	_ =	shalt  }
0x66: {  	_ =	shalt  }
0x67: {  	_ =	shalt  }
0x68: {  	_ =	shalt  }
0x69: {  	_ =	shalt  }
0x6a: {  	_ =	shalt  }
0x6b: {  	_ =	shalt  }
0x6c: {  	_ =	shalt  }
0x6d: {  	_ =	shalt  }
0x6e: {  	_ =	shalt  }
0x6f: {  	_ =	shalt  }
0x70: {  	_ =	shalt  }
0x71: {  	_ =	shalt  }
0x72: {  	_ =	shalt  }
0x73: {  	_ =	shalt  }
0x74: {  	_ =	shalt  }
0x75: {  	_ =	shalt  }
0x76: {  	_ =	shalt  }
0x77: {  	_ =	shalt  }
0x78: {  	_ =	shalt  }
0x79: {  	_ =	shalt  }
0x7a: {  	_ =	shalt  }
0x7b: {  	_ =	shalt  }
0x7c: {  	_ =	shalt  }
0x7d: {  	_ =	shalt  }
0x7e: {  	_ =	shalt  }
0x7f: {  	_ =	shalt  }
0x80: {  	_ =	shalt  }
0x81: {  	_ =	shalt  }
0x82: {  	_ =	shalt  }
0x83: {  	_ =	shalt  }
0x84: {  	_ =	shalt  }
0x85: {  	_ =	shalt  }
0x86: {  	_ =	shalt  }
0x87: {  	_ =	shalt  }
.Lfunc_end0:
.L_simem_size_0:
called_computation_lowered:
.L_overlay_start_0:
0x88: {  	s2 =	sld [smem:$0x3FD9]  }
0x89: {  	s3 =	sld [smem:$0x3FFE];
	_ =	sdelay $0x1  }
0x8a: {  	s1 =	srdreg.scid  }
0x8b: {  	s0 =	sand.u32 $0x1, s1  }
0x8c: {  	s17 =	sshll.u32 s0, $0xA;
	s2 =	sadd.s32 s3, s2  }
0x8d: {  	s2 =	sadd.s32 s2, s17  }
0x8e: {  	[smem:$0x3FC2] =	sst s2  }
0x8f: {  	_ = 	snop  }
0x90: {  	s2 =	sld [smem:$0x3FD0];
	(tm) =	ssettm $0x1  }
0x91: {  	s18 =	sld [smem:$0x3FFB];
	_ =	sdelay $0x3  }
0x92: {  	_ =	strace s18  }
0x93: {  	s3 =	sld [smem:$0x3FFC];
	_ =	sdelay $0x3  }
0x94: {  	_ =	strace s3  }
0x95: {  	s3 =	sld [smem:$0x3FFD];
	_ =	sdelay $0x3  }
0x96: {  	_ =	strace s3  }
0x97: {  	_ =	strace $0x8FFFFFFF  }
0x98: {  	s19 =	sld [smem:$0x3FDB];
	_ =	sdelay $0x1  }
0x99: {  	s4 =	simm.s32 $_scs_section_size  }
0x9a: {  	s5 =	simm.s32 $_size__tile_overlayer_lowered;
	s6 =	simm.s32 $_tile_overlayer_lowered  }
0x9b: {  	s22 =	simm.s32 $0x1BFF;
	s21 =	sshll.u32 s6, $0x1;
	s3 =	sadd.s32 s4, s19  }
0x9c: {  	s7 =	simm.s32 $0x0;
	s20 =	sshll.u32 s5, $0x1;
	s5 =	sadd.s32 s21, s3  }
0x9d: {  	[timem:s7], [sflag:s22] =	dma.local [hbm:s5], s20  }
0x9e: {  	_ =	swait.ge [sflag:s22], s20  }
0x9f: {  	s4 =	ssub.s32 $0x0, s20;
	[sflag:s22] =	ssyncset.done $0x0  }
0xa0: {  	[sflag:s22] =	ssyncadd.s32 s4;
	_ =	sdelay $0x1  }
0xa1: {  	s23 =	simm.s32 $0x1B8B  }
0xa2: {  	_ =	swait.ge [sflag:s23], $0x1  }
0xa3: {  	[sflag:s23] =	ssyncset.done $0x0  }
0xa4: {  	s25 =	simm.s32 $0x1B8E;
	s24 =	sld [smem:$0x3FFE];
	[sflag:s23] =	ssyncadd.s32 $0xFFFFFFFF  }
0xa5: {  	s26 =	simm.s32 $execute0_lowered;
	[smem:$0x3FD2] =	sst s25  }
0xa6: {  	s5 =	sshll.u32 s26, $0x1;
	_ =	strace $0x80000046;
	[dreg:$0x1] =	wrdreg $0xFFFFFFFF  }
0xa7: {  	s28 =	simm.s32 $_size_execute0_lowered;
	s3 =	sadd.s32 s3, s5;
	[dreg:$0x0] =	wrdreg $0x0  }
0xa8: {  	s5 =	sshll.u32 s28, $0x1;
	[dreg:$0x2] =	wrdreg s3  }
0xa9: {  	[dreg:$0x3] =	wrdreg s5  }
0xaa: {  	[dreg:$0x4] =	wrdreg $0xC0  }
0xab: {  	_ =	task [dreg:s7], $0x5FFFF  }
0xac: {  	[dreg:$0x1] =	wrdreg $0xFFFFFFFF  }
0xad: {  	[dreg:$0x0] =	wrdreg $0x60  }
0xae: {  	[dreg:$0x2] =	wrdreg s2  }
0xaf: {  	[dreg:$0x3] =	wrdreg s24  }
0xb0: {  	[dreg:$0x4] =	wrdreg $0x9  }
0xb1: {  	_ =	task.clear_ibuf [dreg:s7], $0x5FFFF;
	_ =	strace $0x90000046  }
0xb2: {  	s29 =	simm.s32 $0x9;
	_ =	strace $0x80000048  }
0xb3: {  	_ =	swait.ge [sflag:s29], $0x1  }
0xb4: {  	[sflag:s29] =	ssyncadd.s32 $0xFFFFFFFF  }
0xb5: {  	_ =	strace $0x90000048  }
0xb6: {  	_ =	sfence  }
0xb7: {  	s30 =	sld [smem:$0x0];
	_ =	sdelay $0x2  }
0xb8: {  	s31 =	sshll.u32 s1, $0xD;
	s1 =	sshrl.u32 s1, $0x2  }
0xb9: {  	s3 =	sand.u32 $0x4000, s31;
	s1 =	sadd.s32 s1, s30  }
0xba: {  	s0 =	sor.u32 s3, s0;
	s1 =	sshll.u32 s1, $0x11  }
0xbb: {  	s0 =	sor.u32 s1, s0  }
0xbc: {  	s0 =	sadd.s32 $0x8F2B, s0  }
0xbd: {  	[sflag:s0] =	ssyncadd.remote.s32 $0x1  }
0xbe: {  	_ =	sfence.sel $0xFFFF  }
0xbf: {  	[dreg:$0x0] =	wrdreg $0xFFFFFFFF;
	(pc) =	sbr.abs _section_cstart, $3  }
0xc0: {  	[dreg:$0x1] =	wrdreg $0xFFFFFFFF  }
0xc1: {  	_ =	task.clear_ibuf [dreg:s7], $0x2FFFF;
	_ =	strace $0x9FFFFFFF  }
0xc2: {  	(tm) =	ssettm $0x7FFFFFFF  }
0xc3: {  	_ =	shalt  }
tec
execute0_lowered:
.L_overlay_start_1:
0x0: {  	(tag) =	ssettag $0x1  }
0x1: {  	s3 =	rddreg [dreg:$0x0]  }
0x2: {  	s4 =	rddreg [dreg:$0x1]  }
0x3: {  	s0 =	rddreg [dreg:$0x2];
	s5 =	srdreg.scid  }
0x4: {  	s1 =	stileid.u32;
	s2 =	simm.s32 $0x0;
	s8 =	simm.s32 $0x1  }
0x5: {  	s9 =	simm.s32 $0x1000;
	s5 =	sand.u32 $0x1, s5;
	s6 =	sshll.u32 s1, $0x1  }
0x6: {  	s10 =	simm.s32 $0x0;
	[smem:$0x7FF] =	sst s2;
	s6 =	sor.u32 s5, s6  }
0x7: {  	_ =	strace $0x80000047;
	s5 =	ssub.s32 $0x2, s5;
	s7 =	sshll.u32 s6, $0x1  }
0x8: {  	s31 =	sshrl.u32 s5, $0x1;
	s6 =	sshll.u32 s6, $0x10;
	s4 =	sadd.s32 s7, s4  }
0x9: {  	s5 =	ssub.s32 s5, s31;
	s3 =	sadd.s32 s3, s6;
	s6 =	simm.s32 $0x80  }
0xa: {  	v0 =	vimm.f32 $0.0e+00;
	s7 =	simm.s32 $0x400;
	s4 =	sadd.s32 $0x400, s4;
	s5 =	smax.u32 s5, $0x1  }
.LBB2_1:
0xb: {  	v1 =	vimm.f32 $0.0e+00;
	s11 =	simm.s32 $0x0  }
.LBB2_2:
0xc: {  	s12 =	sshll.u32 s11, $0x9  }
0xd: {  	s13 =	sshll.u32 s11, $0x4;
	s12 =	sand.u32 $0xF000, s12  }
0xe: {  	s13 =	sand.u32 $0x70, s13;
	s12 =	sadd.s32 s12, s3  }
0xf: {  	s30 =	simm.s32 $0x0;
	s12 =	sadd.s32 s13, s12  }
0x10: {  	[tilespmem:s30], [sflag:$0x1] =	stream.strided.gather [hbm4b:s12+s6], $0x1000, s7, s6, $0x38;
	[tilespmem:$0x1080] =	vst v63  }
0x11: {  	_ =	swait.ge [sflag:s8], $0x1000  }
0x12: {  	[sflag:s8] =	ssyncset.done $0x0  }
0x13: {  	s31 =	simm.s32 $0x0;
	[sflag:s8] =	ssyncadd.s32 $0xFFFFF000  }
0x14: {  	v2 =	vld [tilespmem:s31+$0x0]  }
0x15: {  	s12 =	simm.s32 $0x40  }
.LBB2_3:
0x16: {  	p0 =	sne.s32 s12, $0x3FC0  }
.Ltmp0:
0x17: {  	_ = 	snop;
	(pc) =	sbr.rel @p0 .LBB2_3-.Ltmp0, $4  }
0x18: {  	_ = 	snop  }
0x19: {  	s13 =	sshra.s32 s12, $0x2;
	s12 =	sadd.s32 $0x40, s12;
	vm0 =	vge.f32 v2, $4.999999890e-03  }
0x1a: {  	v2 =	vld [tilespmem:s13+$0x0];
	v3 =	vsel vm0, $0x3F800000, v0  }
0x1b: {  	v1 =	vadd.f32 v3, v1  }
0x1c: {  	s11 =	sadd.s32 $0x1, s11  }
0x1d: {  	p0 =	sne.s32 s11, $0x80  }
.Ltmp1:
0x1e: {  	_ = 	snop;
	(pc) =	sbr.rel @p0 .LBB2_2-.Ltmp1, $4  }
0x1f: {  	_ = 	snop  }
0x20: {  	vm0 =	vge.f32 v2, $4.999999890e-03  }
0x21: {  	v2 =	vsel vm0, $0x3F800000, v0  }
0x22: {  	v1 =	vadd.f32 v2, v1  }
0x23: {  	s10 =	sadd.s32 $0x1, s10  }
0x24: {  	p0 =	sne.s32 s10, s5  }
.Ltmp2:
0x25: {  	[tilespmem:$0x1000] =	vst v1;
	(pc) =	sbr.rel @p0 .LBB2_1-.Ltmp2, $4  }
0x26: {  	[hbm4b:s4+s2] =	stream.linear.scatter [tilespmem:s9], [sflag:$0x1], $0x10, $0x38;
	[tilespmem:$0x1080] =	vst v63  }
0x27: {  	_ =	swait.ge [sflag:s8], $0x10  }
0x28: {  	[sflag:s8] =	ssyncset.done $0x0  }
0x29: {  	[sflag:s8] =	ssyncadd.s32 $0xFFFFFFF0  }
0x2a: {  	_ =	sfence.sel $0x180000  }
0x2b: {  	[bflag:$0x0] =	sbarrier.arrive $0xFFFF  }
0x2c: {  	p0 =	sne.s32 s1, $0x0;
	_ =	strace $0x90000047  }
0x2d: {  	s0 =	sadd.s32 @!p0 $0x100000, s0;
	[bflag:$0x2] =	sbarrier.arrive $0xFFFF  }
0x2e: {  	[sflag:s0] =	ssyncadd.tile.s32 @!p0 $0x1;
	_ =	shalt  }
.Lfunc_end2:
_tile_overlayer_lowered:
.L_overlay_start_2:
0x2f: {  	(tag) =	ssettag $0x2  }
0x30: {  	s0 =	rddreg [dreg:$0x0];
	s2 =	stileid.u32  }
0x31: {  	s1 =	rddreg [dreg:$0x1];
	p0 =	sne.s32 s2, $0x0  }
0x32: {  	s3 =	rddreg [dreg:$0x2];
	[bflag:$0x3] =	sbarrier.arrive $0xFFFF;
	s2 =	simm.s32 @!p0 $0x1C01  }
0x33: {  	[timem:s3], [sflag:s2] =	dma.local @!p0 [hbm:s0], s1  }
0x34: {  	s0 =	simm.s32 @!p0 $0x1  }
0x35: {  	_ =	swait.ge @!p0 [sflag:s0], s1  }
0x36: {  	s1 =	ssub.s32 @!p0 $0x0, s1;
	[sflag:s0] =	ssyncset.done @!p0 $0x0  }
0x37: {  	[sflag:s0] =	ssyncadd.s32 @!p0 s1  }
0x38: {  	[bflag:$0x3] =	sbarrier.arrive $0xFFFF  }
0x39: {  	_ =	shalt  }

</sc_bundles>
